<compile_context>
chip_gen: v7x
topology: tpu7x:2x2x1
jax: 0.10.2.dev20260603
libtpu: 0.0.44.dev20260713+nightly
codegen_flags: <defaults>
</compile_context>

<pallas_src>
import functools

import jax
import jax.numpy as jnp
from jax.experimental import pallas as pl
from jax.experimental.pallas import tpu as pltpu
from jax.experimental.pallas import tpu_sc as plsc


def _argmin_body(nj, tn, z_ref, cbt_ref, z2_ref, c2_ref, out_ref,
                 rmin_ref, rarg_ref):
    j = pl.program_id(1)
    z = z_ref[...]
    cbt = cbt_ref[...]
    dots = jnp.dot(z, cbt, preferred_element_type=jnp.float32)
    d2 = (z2_ref[...] - 2.0 * dots) + c2_ref[...]
    dists = jnp.sqrt(jnp.maximum(d2, 0.0))
    lmin = jnp.min(dists, axis=1, keepdims=True)
    eq = dists == lmin
    idxs = jax.lax.broadcasted_iota(jnp.int32, dists.shape, 1)
    larg = jnp.min(jnp.where(eq, idxs, tn), axis=1, keepdims=True) + j * tn

    @pl.when(j == 0)
    def _():
        rmin_ref[...] = lmin
        rarg_ref[...] = larg

    @pl.when(j > 0)
    def _():
        prev = rmin_ref[...]
        parg = rarg_ref[...]
        upd = lmin < prev
        rmin_ref[...] = jnp.where(upd, lmin, prev)
        rarg_ref[...] = jnp.where(upd, larg, parg)

    @pl.when(j == nj - 1)
    def _():
        out_ref[...] = rarg_ref[...]


def _nearest_indices(z_flat, codebook, tm=512, tn=512, interpret=False):
    m, d = z_flat.shape
    n, _ = codebook.shape
    ni, nj = m // tm, n // tn
    cbt = codebook.T
    z2 = jnp.sum(z_flat ** 2, axis=1, keepdims=True)
    c2 = jnp.sum(codebook ** 2, axis=1)[None, :]
    out = pl.pallas_call(
        functools.partial(_argmin_body, nj, tn),
        grid=(ni, nj),
        in_specs=[
            pl.BlockSpec((tm, d), lambda i, j: (i, 0)),
            pl.BlockSpec((d, tn), lambda i, j: (0, j)),
            pl.BlockSpec((tm, 1), lambda i, j: (i, 0)),
            pl.BlockSpec((1, tn), lambda i, j: (0, j)),
        ],
        out_specs=pl.BlockSpec((tm, 1), lambda i, j: (i, 0)),
        out_shape=jax.ShapeDtypeStruct((m, 1), jnp.int32),
        scratch_shapes=[
            pltpu.VMEM((tm, 1), jnp.float32),
            pltpu.VMEM((tm, 1), jnp.int32),
        ],
        compiler_params=pltpu.CompilerParams(
            dimension_semantics=("arbitrary", "arbitrary")),
        interpret=interpret,
    )(z_flat, cbt, z2, c2)
    return out.reshape(m)


def _sc_gather(codebook, indices, window=128):
    m = indices.shape[0]
    n, d = codebook.shape
    idx2 = indices.reshape(m // window, window)

    @functools.partial(
        pl.kernel,
        out_type=jax.ShapeDtypeStruct((m, d), codebook.dtype),
        mesh=plsc.VectorSubcoreMesh(
            core_axis_name="core", subcore_axis_name="subcore"),
    )
    def gather_kernel(cb_hbm, i_hbm, o_hbm):
        def body(i_vmem, o_vmem):
            pltpu.sync_copy(cb_hbm.at[i_vmem.at[0]], o_vmem)

        pltpu.emit_pipeline(
            body,
            grid=(m // window,),
            in_specs=[pl.BlockSpec((1, window), index_map=lambda i: (i, 0))],
            out_specs=[pl.BlockSpec((window, d), index_map=lambda i: (i, 0))],
            core_axis_name=("core", "subcore"),
            dimension_semantics=(pltpu.PARALLEL,),
        )(i_hbm, o_hbm)

    return gather_kernel(codebook, idx2)


def kernel(z_e, codebook):
    b, t, d = z_e.shape
    z_flat = z_e.reshape(-1, d)
    indices = _nearest_indices(z_flat, codebook)
    z_q = _sc_gather(codebook, indices)
    return (z_q.reshape(b, t, d), indices.reshape(b, t))

# --- scband reference (transcript-rebuilt; emitter-appended) ---
"""Pipeline reference for scband-codebook-56100862820665 (READ-ONLY COPY).

The authoritative reference and input builder live on the scoring server;
editing this copy changes nothing except your own understanding.
"""

import jax, jax.numpy as jnp
import numpy as np


def setup_inputs(seed: int = 0) -> dict:
    key = jax.random.key(seed)
    k1, k2 = jax.random.split(key)
    z_e = jax.random.normal(k1, (8, 1024, 256), dtype=jnp.float32)
    codebook = jax.random.normal(k2, (8192, 256), dtype=jnp.float32)
    return {"z_e": z_e, "codebook": codebook}


def reference(z_e, codebook):
    B, T, D = z_e.shape
    z_flat = z_e.reshape(-1, D)
    # torch.cdist (p=2) equivalent: pairwise euclidean distances
    d2 = (jnp.sum(z_flat ** 2, axis=1, keepdims=True)
          - 2.0 * (z_flat @ codebook.T)
          + jnp.sum(codebook ** 2, axis=1)[None, :])
    dists = jnp.sqrt(jnp.maximum(d2, 0.0))
    indices = jnp.argmin(dists, axis=1)
    z_q = jnp.take(codebook, indices, axis=0).reshape(B, T, D)
    z_q_st = z_e + jax.lax.stop_gradient(z_q - z_e)
    return (z_q_st, indices.reshape(B, T))

if __name__ == "__main__":
    import jax
    _d = setup_inputs()
    print(jax.jit(kernel)(*tuple(_d.values())))

</pallas_src>

<mosaic_0001>
#map = affine_map<(d0, d1) -> (0, 0)>
module attributes {stable_mosaic.version = 14 : i64} {
  func.func @gather_kernel(%arg0: i32, %arg1: i32, %arg2: memref<8192x256xf32, #tpu.memory_space<hbm>>, %arg3: memref<64x128xi32, #tpu.memory_space<hbm>>, %arg4: memref<8192x256xf32, #tpu.memory_space<hbm>>) attributes {dimension_semantics = [#tpu.dimension_semantics<core_parallel>, #tpu.dimension_semantics<subcore_parallel>], iteration_bounds = array<i64: 2, 16>, scalar_prefetch = 0 : i64, scratch_operands = 0 : i64, tpu.core_type = #tpu.core_type<sc_vector_subcore>, window_params = [{transform_indices = #map}, {transform_indices = #map}, {transform_indices = #map}]} {
    %mul3A = arith.constant 1 : i32
    %mul3A_0 = arith.muli %arg1, %mul3A : i32
    %add3A = arith.constant 0 : i32
    %add3A_1 = arith.addi %add3A, %mul3A_0 : i32
    %mul3A_2 = arith.constant 16 : i32
    %mul3A_3 = arith.muli %arg0, %mul3A_2 : i32
    %add3A_4 = arith.addi %add3A_1, %mul3A_3 : i32
    %mul3A_5 = arith.constant 2 : i32
    %mul3A_6 = arith.muli %add3A_4, %mul3A_5 : i32
    "tpu.region"() ({
      %run_scoped3A = memref.alloca() : memref<2x1x128xi32, #tpu.memory_space<vmem>>
      %run_scoped3A_7 = tpu.sem_alloc : memref<2x!tpu.dma_semaphore, #tpu.memory_space<semaphore_mem>>
      %run_scoped3A_8 = memref.alloca() : memref<2x128x256xf32, #tpu.memory_space<vmem>>
      %run_scoped3A_9 = tpu.sem_alloc : memref<2x!tpu.dma_semaphore, #tpu.memory_space<semaphore_mem>>
      %add3A_10 = arith.constant 0 : i32
      %add3A_11 = arith.addi %add3A_10, %mul3A_6 : i32
      %select_n3A = arith.constant true
      %select_n3A_12 = arith.constant 0 : i32
      %select_n3A_13 = arith.constant -1 : i32
      %select_n3A_14 = arith.select %select_n3A, %select_n3A_13, %select_n3A_12 : i32
      %eq3A = arith.constant -1 : i32
      %eq3A_15 = arith.cmpi eq, %select_n3A_14, %eq3A : i32
      %select_n3A_16 = arith.constant 1 : i32
      %select_n3A_17 = arith.select %eq3A_15, %select_n3A_16, %select_n3A_14 : i32
      %add3A_18 = arith.addi %select_n3A_17, %mul3A_6 : i32
      %select_n3A_19 = arith.constant true
      %select_n3A_20 = arith.constant 0 : i32
      %select_n3A_21 = arith.constant 1 : i32
      %select_n3A_22 = arith.select %select_n3A_19, %select_n3A_21, %select_n3A_20 : i32
      %eq3A_23 = arith.constant 2 : i32
      %eq3A_24 = arith.cmpi eq, %select_n3A_22, %eq3A_23 : i32
      %select_n3A_25 = arith.constant 0 : i32
      %select_n3A_26 = arith.select %eq3A_24, %select_n3A_25, %select_n3A_22 : i32
      %add3A_27 = arith.addi %select_n3A_26, %mul3A_6 : i32
      %add3A_28 = arith.constant 1 : i32
      %add3A_29 = arith.addi %select_n3A_26, %add3A_28 : i32
      %select_n3A_30 = arith.constant true
      %select_n3A_31 = arith.select %select_n3A_30, %add3A_29, %select_n3A_26 : i32
      %eq3A_32 = arith.constant 2 : i32
      %eq3A_33 = arith.cmpi eq, %select_n3A_31, %eq3A_32 : i32
      %select_n3A_34 = arith.constant 0 : i32
      %select_n3A_35 = arith.select %eq3A_33, %select_n3A_34, %select_n3A_31 : i32
      %add3A_36 = arith.addi %select_n3A_35, %mul3A_6 : i32
      "tpu.trace_start"() <{level = 10 : i32, message = "ep_initialize_0"}> : () -> ()
      %rem3A = arith.constant 0 : i32
      %rem3A_37 = arith.constant 2 : i32
      %rem3A_38 = arith.remui %rem3A, %rem3A_37 : i32
      %mul3A_39 = arith.constant 1 : i32
      %mul3A_40 = arith.muli %mul3A_39, %add3A_11 : i32
      %dma_start3A = arith.constant 0 : i32
      %dma_start3A_41 = arith.constant 0 : i32
      %dma_start3A_42 = tpu.memref_slice %run_scoped3A[%rem3A_38, %dma_start3A, %dma_start3A_41] : memref<2x1x128xi32, #tpu.memory_space<vmem>> -> memref<1x1x128xi32, #tpu.memory_space<vmem>>
      %dma_start3A_43 = tpu.memref_squeeze %dma_start3A_42 : memref<1x1x128xi32, #tpu.memory_space<vmem>> -> memref<1x128xi32, #tpu.memory_space<vmem>>
      %dma_start3A_44 = arith.constant 0 : i32
      %dma_start3A_45 = tpu.memref_slice %arg3[%mul3A_40, %dma_start3A_44] : memref<64x128xi32, #tpu.memory_space<hbm>> -> memref<1x128xi32, #tpu.memory_space<hbm>>
      %dma_start3A_46 = tpu.memref_slice %run_scoped3A_7[%rem3A_38] : memref<2x!tpu.dma_semaphore, #tpu.memory_space<semaphore_mem>> -> memref<1x!tpu.dma_semaphore, #tpu.memory_space<semaphore_mem>>
      %dma_start3A_47 = tpu.memref_squeeze %dma_start3A_46 : memref<1x!tpu.dma_semaphore, #tpu.memory_space<semaphore_mem>> -> memref<!tpu.dma_semaphore, #tpu.memory_space<semaphore_mem>>
      %dma_start3A_48 = arith.constant 0 : i32
      %dma_start3A_49 = arith.constant 0 : i32
      %dma_start3A_50 = tpu.memref_slice %run_scoped3A[%rem3A_38, %dma_start3A_48, %dma_start3A_49] : memref<2x1x128xi32, #tpu.memory_space<vmem>> -> memref<1x1x128xi32, #tpu.memory_space<vmem>>
      %dma_start3A_51 = tpu.memref_squeeze %dma_start3A_50 : memref<1x1x128xi32, #tpu.memory_space<vmem>> -> memref<1x128xi32, #tpu.memory_space<vmem>>
      %dma_start3A_52 = arith.constant 0 : i32
      %dma_start3A_53 = tpu.memref_slice %arg3[%mul3A_40, %dma_start3A_52] : memref<64x128xi32, #tpu.memory_space<hbm>> -> memref<1x128xi32, #tpu.memory_space<hbm>>
      tpu.enqueue_dma source(%dma_start3A_53 : memref<1x128xi32, #tpu.memory_space<hbm>>) target(%dma_start3A_51 : memref<1x128xi32, #tpu.memory_space<vmem>>) target_semaphore(%dma_start3A_47 : memref<!tpu.dma_semaphore, #tpu.memory_space<semaphore_mem>>)
      %add3A_54 = arith.constant 0 : i32
      %add3A_55 = arith.constant 1 : i32
      %add3A_56 = arith.addi %add3A_54, %add3A_55 : i32
      %select_n3A_57 = arith.constant true
      %select_n3A_58 = arith.constant 0 : i32
      %select_n3A_59 = arith.select %select_n3A_57, %add3A_56, %select_n3A_58 : i32
      "tpu.trace_stop"() : () -> ()
      %scan3A = arith.constant 0 : i32
      %scan3A_60 = arith.constant 0 : i32
      %scan3A_61 = arith.constant 0 : i32
      %scan3A_62 = arith.constant 0 : i32
      %scan3A_63 = arith.constant 0 : i32
      %scan3A_64 = arith.constant 2 : i32
      %scan3A_65 = arith.addi %scan3A_63, %scan3A_64 : i32
      %scan3A_66 = arith.constant 1 : i32
      %scan3A_67:5 = scf.for %scan3A_121 = %scan3A_63 to %scan3A_65 step %scan3A_66 iter_args(%scan3A_122 = %select_n3A_59, %scan3A_123 = %scan3A, %scan3A_124 = %scan3A_60, %scan3A_125 = %scan3A_61, %scan3A_126 = %scan3A_62) -> (i32, i32, i32, i32, i32)  : i32 {
        %eq3A_127 = arith.constant 0 : i32
        %eq3A_128 = arith.cmpi eq, %scan3A_121, %eq3A_127 : i32
        %eq3A_129 = arith.constant 1 : i32
        %eq3A_130 = arith.cmpi eq, %scan3A_121, %eq3A_129 : i32
        %add3A_131 = arith.addi %scan3A_126, %mul3A_6 : i32
        %sub3A_132 = arith.constant 1 : i32
        %sub3A_133 = arith.subi %scan3A_126, %sub3A_132 : i32
        %select_n3A_134 = arith.constant true
        %select_n3A_135 = arith.select %select_n3A_134, %sub3A_133, %scan3A_126 : i32
        %eq3A_136 = arith.constant -1 : i32
        %eq3A_137 = arith.cmpi eq, %select_n3A_135, %eq3A_136 : i32
        %select_n3A_138 = arith.constant 1 : i32
        %select_n3A_139 = arith.select %eq3A_137, %select_n3A_138, %select_n3A_135 : i32
        %add3A_140 = arith.addi %select_n3A_139, %mul3A_6 : i32
        %add3A_141 = arith.constant 1 : i32
        %add3A_142 = arith.addi %scan3A_126, %add3A_141 : i32
        %select_n3A_143 = arith.constant true
        %select_n3A_144 = arith.select %select_n3A_143, %add3A_142, %scan3A_126 : i32
        %eq3A_145 = arith.constant 2 : i32
        %eq3A_146 = arith.cmpi eq, %select_n3A_144, %eq3A_145 : i32
        %select_n3A_147 = arith.constant 0 : i32
        %select_n3A_148 = arith.select %eq3A_146, %select_n3A_147, %select_n3A_144 : i32
        %add3A_149 = arith.addi %select_n3A_148, %mul3A_6 : i32
        %add3A_150 = arith.constant 1 : i32
        %add3A_151 = arith.addi %select_n3A_148, %add3A_150 : i32
        %select_n3A_152 = arith.constant true
        %select_n3A_153 = arith.select %select_n3A_152, %add3A_151, %select_n3A_148 : i32
        %eq3A_154 = arith.constant 2 : i32
        %eq3A_155 = arith.cmpi eq, %select_n3A_153, %eq3A_154 : i32
        %select_n3A_156 = arith.constant 0 : i32
        %select_n3A_157 = arith.select %eq3A_155, %select_n3A_156, %select_n3A_153 : i32
        %add3A_158 = arith.addi %select_n3A_157, %mul3A_6 : i32
        %ne3A = arith.cmpi ne, %add3A_131, %add3A_149 : i32
        %or3A = arith.constant false
        %or3A_159 = arith.ori %or3A, %ne3A : i1
        %or3A_160 = arith.constant false
        %or3A_161 = arith.ori %or3A_159, %or3A_160 : i1
        %ge3A = arith.constant 1 : i32
        %ge3A_162 = arith.cmpi sge, %scan3A_121, %ge3A : i32
        %not3A = arith.constant true
        %not3A_163 = arith.xori %ge3A_162, %not3A : i1
        %and3A = arith.andi %or3A_161, %not3A_163 : i1
        %convert_element_type3A = arith.extui %and3A : i1 to i32
        %cond3A = arith.constant 0 : i32
        %cond3A_164 = arith.cmpi ne, %convert_element_type3A, %cond3A : i32
        scf.if %cond3A_164 {
          "tpu.trace_start"() <{level = 10 : i32, message = "ep_copy_in"}> : () -> ()
          %rem3A_274 = arith.constant 2 : i32
          %rem3A_275 = arith.remui %scan3A_122, %rem3A_274 : i32
          %mul3A_276 = arith.constant 1 : i32
          %mul3A_277 = arith.muli %mul3A_276, %add3A_149 : i32
          %dma_start3A_278 = arith.constant 0 : i32
          %dma_start3A_279 = arith.constant 0 : i32
          %dma_start3A_280 = tpu.memref_slice %run_scoped3A[%rem3A_275, %dma_start3A_278, %dma_start3A_279] : memref<2x1x128xi32, #tpu.memory_space<vmem>> -> memref<1x1x128xi32, #tpu.memory_space<vmem>>
          %dma_start3A_281 = tpu.memref_squeeze %dma_start3A_280 : memref<1x1x128xi32, #tpu.memory_space<vmem>> -> memref<1x128xi32, #tpu.memory_space<vmem>>
          %dma_start3A_282 = arith.constant 0 : i32
          %dma_start3A_283 = tpu.memref_slice %arg3[%mul3A_277, %dma_start3A_282] : memref<64x128xi32, #tpu.memory_space<hbm>> -> memref<1x128xi32, #tpu.memory_space<hbm>>
          %dma_start3A_284 = tpu.memref_slice %run_scoped3A_7[%rem3A_275] : memref<2x!tpu.dma_semaphore, #tpu.memory_space<semaphore_mem>> -> memref<1x!tpu.dma_semaphore, #tpu.memory_space<semaphore_mem>>
          %dma_start3A_285 = tpu.memref_squeeze %dma_start3A_284 : memref<1x!tpu.dma_semaphore, #tpu.memory_space<semaphore_mem>> -> memref<!tpu.dma_semaphore, #tpu.memory_space<semaphore_mem>>
          %dma_start3A_286 = arith.constant 0 : i32
          %dma_start3A_287 = arith.constant 0 : i32
          %dma_start3A_288 = tpu.memref_slice %run_scoped3A[%rem3A_275, %dma_start3A_286, %dma_start3A_287] : memref<2x1x128xi32, #tpu.memory_space<vmem>> -> memref<1x1x128xi32, #tpu.memory_space<vmem>>
          %dma_start3A_289 = tpu.memref_squeeze %dma_start3A_288 : memref<1x1x128xi32, #tpu.memory_space<vmem>> -> memref<1x128xi32, #tpu.memory_space<vmem>>
          %dma_start3A_290 = arith.constant 0 : i32
          %dma_start3A_291 = tpu.memref_slice %arg3[%mul3A_277, %dma_start3A_290] : memref<64x128xi32, #tpu.memory_space<hbm>> -> memref<1x128xi32, #tpu.memory_space<hbm>>
          tpu.enqueue_dma source(%dma_start3A_291 : memref<1x128xi32, #tpu.memory_space<hbm>>) target(%dma_start3A_289 : memref<1x128xi32, #tpu.memory_space<vmem>>) target_semaphore(%dma_start3A_285 : memref<!tpu.dma_semaphore, #tpu.memory_space<semaphore_mem>>)
          "tpu.trace_stop"() : () -> ()
        } else {
        }
        %and3A_165 = arith.constant true
        %and3A_166 = arith.andi %and3A, %and3A_165 : i1
        %add3A_167 = arith.constant 1 : i32
        %add3A_168 = arith.addi %scan3A_122, %add3A_167 : i32
        %select_n3A_169 = arith.select %and3A_166, %add3A_168, %scan3A_122 : i32
        %ne3A_170 = arith.cmpi ne, %add3A_131, %add3A_149 : i32
        %or3A_171 = arith.constant false
        %or3A_172 = arith.ori %or3A_171, %ne3A_170 : i1
        %or3A_173 = arith.constant false
        %or3A_174 = arith.ori %or3A_172, %or3A_173 : i1
        %ge3A_175 = arith.constant 1 : i32
        %ge3A_176 = arith.cmpi sge, %scan3A_121, %ge3A_175 : i32
        %not3A_177 = arith.constant true
        %not3A_178 = arith.xori %ge3A_176, %not3A_177 : i1
        %and3A_179 = arith.andi %or3A_174, %not3A_178 : i1
        %ne3A_180 = arith.cmpi ne, %add3A_131, %add3A_140 : i32
        %or3A_181 = arith.constant false
        %or3A_182 = arith.ori %or3A_181, %ne3A_180 : i1
        %or3A_183 = arith.constant false
        %or3A_184 = arith.ori %or3A_182, %or3A_183 : i1
        %or3A_185 = arith.ori %or3A_184, %eq3A_128 : i1
        %convert_element_type3A_186 = arith.extui %or3A_185 : i1 to i32
        %cond3A_187 = arith.constant 0 : i32
        %cond3A_188 = arith.cmpi ne, %convert_element_type3A_186, %cond3A_187 : i32
        scf.if %cond3A_188 {
          "tpu.trace_start"() <{level = 10 : i32, message = "ep_wait_in"}> : () -> ()
          %mul3A_274 = arith.constant 1 : i32
          %mul3A_275 = arith.muli %mul3A_274, %add3A_131 : i32
          %rem3A_276 = arith.constant 2 : i32
          %rem3A_277 = arith.remui %scan3A_123, %rem3A_276 : i32
          %dma_wait3A_278 = arith.constant 0 : i32
          %dma_wait3A_279 = arith.constant 0 : i32
          %dma_wait3A_280 = tpu.memref_slice %run_scoped3A[%rem3A_277, %dma_wait3A_278, %dma_wait3A_279] : memref<2x1x128xi32, #tpu.memory_space<vmem>> -> memref<1x1x128xi32, #tpu.memory_space<vmem>>
          %dma_wait3A_281 = tpu.memref_squeeze %dma_wait3A_280 : memref<1x1x128xi32, #tpu.memory_space<vmem>> -> memref<1x128xi32, #tpu.memory_space<vmem>>
          %dma_wait3A_282 = arith.constant 0 : i32
          %dma_wait3A_283 = tpu.memref_slice %arg3[%mul3A_275, %dma_wait3A_282] : memref<64x128xi32, #tpu.memory_space<hbm>> -> memref<1x128xi32, #tpu.memory_space<hbm>>
          %dma_wait3A_284 = tpu.memref_slice %run_scoped3A_7[%rem3A_277] : memref<2x!tpu.dma_semaphore, #tpu.memory_space<semaphore_mem>> -> memref<1x!tpu.dma_semaphore, #tpu.memory_space<semaphore_mem>>
          %dma_wait3A_285 = tpu.memref_squeeze %dma_wait3A_284 : memref<1x!tpu.dma_semaphore, #tpu.memory_space<semaphore_mem>> -> memref<!tpu.dma_semaphore, #tpu.memory_space<semaphore_mem>>
          %dma_wait3A_286 = arith.constant 0 : i32
          %dma_wait3A_287 = arith.constant 0 : i32
          %dma_wait3A_288 = tpu.memref_slice %run_scoped3A[%rem3A_277, %dma_wait3A_286, %dma_wait3A_287] : memref<2x1x128xi32, #tpu.memory_space<vmem>> -> memref<1x1x128xi32, #tpu.memory_space<vmem>>
          %dma_wait3A_289 = tpu.memref_squeeze %dma_wait3A_288 : memref<1x1x128xi32, #tpu.memory_space<vmem>> -> memref<1x128xi32, #tpu.memory_space<vmem>>
          %dma_wait3A_290 = arith.constant 0 : i32
          %dma_wait3A_291 = tpu.memref_slice %arg3[%mul3A_275, %dma_wait3A_290] : memref<64x128xi32, #tpu.memory_space<hbm>> -> memref<1x128xi32, #tpu.memory_space<hbm>>
          tpu.wait_dma2 semaphore(%dma_wait3A_285 : memref<!tpu.dma_semaphore, #tpu.memory_space<semaphore_mem>>) src(%dma_wait3A_291 : memref<1x128xi32, #tpu.memory_space<hbm>>) dst(%dma_wait3A_289 : memref<1x128xi32, #tpu.memory_space<vmem>>)
          "tpu.trace_stop"() : () -> ()
        } else {
        }
        %ne3A_189 = arith.cmpi ne, %add3A_131, %add3A_140 : i32
        %or3A_190 = arith.constant false
        %or3A_191 = arith.ori %or3A_190, %ne3A_189 : i1
        %or3A_192 = arith.constant false
        %or3A_193 = arith.ori %or3A_191, %or3A_192 : i1
        %or3A_194 = arith.ori %or3A_193, %eq3A_128 : i1
        %convert_element_type3A_195 = arith.extui %or3A_194 : i1 to i32
        %cond3A_196 = arith.constant 0 : i32
        %cond3A_197 = arith.cmpi ne, %convert_element_type3A_195, %cond3A_196 : i32
        scf.if %cond3A_197 {
        } else {
        }
        %rem3A_198 = arith.constant 2 : i32
        %rem3A_199 = arith.remui %scan3A_123, %rem3A_198 : i32
        %rem3A_200 = arith.constant 2 : i32
        %rem3A_201 = arith.remui %scan3A_124, %rem3A_200 : i32
        %run_scoped3A_202 = arith.constant 0 : i32
        "tpu.trace_start"() <{level = 10 : i32, message = "ep_run_kernel"}> : () -> ()
        "tpu.region"() ({
          %run_scoped3A_274 = tpu.sem_alloc : memref<!tpu.dma_semaphore, #tpu.memory_space<semaphore_mem>>
          %dma_start3A_275 = arith.constant 0 : i32
          %dma_start3A_276 = arith.constant 0 : i32
          %dma_start3A_277 = tpu.memref_slice %run_scoped3A_8[%rem3A_201, %dma_start3A_275, %dma_start3A_276] : memref<2x128x256xf32, #tpu.memory_space<vmem>> -> memref<1x128x256xf32, #tpu.memory_space<vmem>>
          %dma_start3A_278 = tpu.memref_squeeze %dma_start3A_277 : memref<1x128x256xf32, #tpu.memory_space<vmem>> -> memref<128x256xf32, #tpu.memory_space<vmem>>
          %dma_start3A_279 = arith.constant 0 : i32
          %dma_start3A_280 = arith.constant 0 : i32
          %dma_start3A_281 = tpu.memref_slice %run_scoped3A[%rem3A_199, %dma_start3A_279, %dma_start3A_280] : memref<2x1x128xi32, #tpu.memory_space<vmem>> -> memref<1x1x128xi32, #tpu.memory_space<vmem>>
          %dma_start3A_282 = tpu.memref_squeeze %dma_start3A_281 : memref<1x1x128xi32, #tpu.memory_space<vmem>> -> memref<1x128xi32, #tpu.memory_space<vmem>>
          %dma_start3A_283 = arith.constant 0 : i32
          %dma_start3A_284 = tpu.memref_slice %dma_start3A_282[%run_scoped3A_202, %dma_start3A_283] : memref<1x128xi32, #tpu.memory_space<vmem>> -> memref<1x128xi32, #tpu.memory_space<vmem>>
          %dma_start3A_285 = tpu.memref_squeeze %dma_start3A_284 : memref<1x128xi32, #tpu.memory_space<vmem>> -> memref<128xi32, #tpu.memory_space<vmem>>
          %dma_start3A_286 = arith.constant 0 : i32
          %dma_start3A_287 = arith.constant 0 : i32
          %dma_start3A_288 = tpu.memref_slice %arg2[%dma_start3A_286, %dma_start3A_287] : memref<8192x256xf32, #tpu.memory_space<hbm>> -> memref<8192x256xf32, #tpu.memory_space<hbm>>
          tpu.enqueue_indirect_dma source(%dma_start3A_288 : memref<8192x256xf32, #tpu.memory_space<hbm>>) target(%dma_start3A_278 : memref<128x256xf32, #tpu.memory_space<vmem>>) offsets(%dma_start3A_285 : memref<128xi32, #tpu.memory_space<vmem>>) semaphore(%run_scoped3A_274 : memref<!tpu.dma_semaphore, #tpu.memory_space<semaphore_mem>>)
          %dma_wait3A_289 = arith.constant 0 : i32
          %dma_wait3A_290 = arith.constant 0 : i32
          %dma_wait3A_291 = tpu.memref_slice %run_scoped3A_8[%rem3A_201, %dma_wait3A_289, %dma_wait3A_290] : memref<2x128x256xf32, #tpu.memory_space<vmem>> -> memref<1x128x256xf32, #tpu.memory_space<vmem>>
          %dma_wait3A_292 = tpu.memref_squeeze %dma_wait3A_291 : memref<1x128x256xf32, #tpu.memory_space<vmem>> -> memref<128x256xf32, #tpu.memory_space<vmem>>
          %dma_wait3A_293 = arith.constant 0 : i32
          %dma_wait3A_294 = arith.constant 0 : i32
          %dma_wait3A_295 = tpu.memref_slice %run_scoped3A[%rem3A_199, %dma_wait3A_293, %dma_wait3A_294] : memref<2x1x128xi32, #tpu.memory_space<vmem>> -> memref<1x1x128xi32, #tpu.memory_space<vmem>>
          %dma_wait3A_296 = tpu.memref_squeeze %dma_wait3A_295 : memref<1x1x128xi32, #tpu.memory_space<vmem>> -> memref<1x128xi32, #tpu.memory_space<vmem>>
          %dma_wait3A_297 = arith.constant 0 : i32
          %dma_wait3A_298 = tpu.memref_slice %dma_wait3A_296[%run_scoped3A_202, %dma_wait3A_297] : memref<1x128xi32, #tpu.memory_space<vmem>> -> memref<1x128xi32, #tpu.memory_space<vmem>>
          %dma_wait3A_299 = tpu.memref_squeeze %dma_wait3A_298 : memref<1x128xi32, #tpu.memory_space<vmem>> -> memref<128xi32, #tpu.memory_space<vmem>>
          %dma_wait3A_300 = arith.constant 0 : i32
          %dma_wait3A_301 = arith.constant 0 : i32
          %dma_wait3A_302 = tpu.memref_slice %arg2[%dma_wait3A_300, %dma_wait3A_301] : memref<8192x256xf32, #tpu.memory_space<hbm>> -> memref<8192x256xf32, #tpu.memory_space<hbm>>
          tpu.wait_indirect_dma semaphore(%run_scoped3A_274 : memref<!tpu.dma_semaphore, #tpu.memory_space<semaphore_mem>>) src(%dma_wait3A_302 : memref<8192x256xf32, #tpu.memory_space<hbm>>) dst(%dma_wait3A_292 : memref<128x256xf32, #tpu.memory_space<vmem>>)
          tpu.yield
        }) : () -> ()
        "tpu.trace_stop"() : () -> ()
        %ne3A_203 = arith.cmpi ne, %add3A_131, %add3A_149 : i32
        %or3A_204 = arith.constant false
        %or3A_205 = arith.ori %or3A_204, %ne3A_203 : i1
        %or3A_206 = arith.constant false
        %or3A_207 = arith.ori %or3A_205, %or3A_206 : i1
        %or3A_208 = arith.ori %or3A_207, %eq3A_130 : i1
        %convert_element_type3A_209 = arith.extui %or3A_208 : i1 to i32
        %cond3A_210 = arith.constant 0 : i32
        %cond3A_211 = arith.cmpi ne, %convert_element_type3A_209, %cond3A_210 : i32
        scf.if %cond3A_211 {
        } else {
        }
        %and3A_212 = arith.constant false
        %and3A_213 = arith.andi %or3A_208, %and3A_212 : i1
        %ne3A_214 = arith.cmpi ne, %add3A_131, %add3A_149 : i32
        %or3A_215 = arith.constant false
        %or3A_216 = arith.ori %or3A_215, %ne3A_214 : i1
        %or3A_217 = arith.constant false
        %or3A_218 = arith.ori %or3A_216, %or3A_217 : i1
        %or3A_219 = arith.ori %or3A_218, %eq3A_130 : i1
        %convert_element_type3A_220 = arith.extui %or3A_219 : i1 to i32
        %cond3A_221 = arith.constant 0 : i32
        %cond3A_222 = arith.cmpi ne, %convert_element_type3A_220, %cond3A_221 : i32
        scf.if %cond3A_222 {
          "tpu.trace_start"() <{level = 10 : i32, message = "ep_copy_out"}> : () -> ()
          %rem3A_274 = arith.constant 2 : i32
          %rem3A_275 = arith.remui %scan3A_124, %rem3A_274 : i32
          %mul3A_276 = arith.constant 128 : i32
          %mul3A_277 = arith.muli %mul3A_276, %add3A_131 : i32
          %dma_start3A_278 = arith.constant 0 : i32
          %dma_start3A_279 = arith.constant 0 : i32
          %dma_start3A_280 = tpu.memref_slice %run_scoped3A_8[%rem3A_275, %dma_start3A_278, %dma_start3A_279] : memref<2x128x256xf32, #tpu.memory_space<vmem>> -> memref<1x128x256xf32, #tpu.memory_space<vmem>>
          %dma_start3A_281 = tpu.memref_squeeze %dma_start3A_280 : memref<1x128x256xf32, #tpu.memory_space<vmem>> -> memref<128x256xf32, #tpu.memory_space<vmem>>
          %dma_start3A_282 = arith.constant 0 : i32
          %dma_start3A_283 = tpu.memref_slice %arg4[%mul3A_277, %dma_start3A_282] : memref<8192x256xf32, #tpu.memory_space<hbm>> -> memref<128x256xf32, #tpu.memory_space<hbm>>
          %dma_start3A_284 = tpu.memref_slice %run_scoped3A_9[%rem3A_275] : memref<2x!tpu.dma_semaphore, #tpu.memory_space<semaphore_mem>> -> memref<1x!tpu.dma_semaphore, #tpu.memory_space<semaphore_mem>>
          %dma_start3A_285 = tpu.memref_squeeze %dma_start3A_284 : memref<1x!tpu.dma_semaphore, #tpu.memory_space<semaphore_mem>> -> memref<!tpu.dma_semaphore, #tpu.memory_space<semaphore_mem>>
          %dma_start3A_286 = arith.constant 0 : i32
          %dma_start3A_287 = tpu.memref_slice %arg4[%mul3A_277, %dma_start3A_286] : memref<8192x256xf32, #tpu.memory_space<hbm>> -> memref<128x256xf32, #tpu.memory_space<hbm>>
          %dma_start3A_288 = arith.constant 0 : i32
          %dma_start3A_289 = arith.constant 0 : i32
          %dma_start3A_290 = tpu.memref_slice %run_scoped3A_8[%rem3A_275, %dma_start3A_288, %dma_start3A_289] : memref<2x128x256xf32, #tpu.memory_space<vmem>> -> memref<1x128x256xf32, #tpu.memory_space<vmem>>
          %dma_start3A_291 = tpu.memref_squeeze %dma_start3A_290 : memref<1x128x256xf32, #tpu.memory_space<vmem>> -> memref<128x256xf32, #tpu.memory_space<vmem>>
          tpu.enqueue_dma source(%dma_start3A_291 : memref<128x256xf32, #tpu.memory_space<vmem>>) target(%dma_start3A_287 : memref<128x256xf32, #tpu.memory_space<hbm>>) target_semaphore(%dma_start3A_285 : memref<!tpu.dma_semaphore, #tpu.memory_space<semaphore_mem>>)
          "tpu.trace_stop"() : () -> ()
        } else {
        }
        %and3A_223 = arith.constant true
        %and3A_224 = arith.andi %or3A_219, %and3A_223 : i1
        %add3A_225 = arith.constant 1 : i32
        %add3A_226 = arith.addi %scan3A_124, %add3A_225 : i32
        %select_n3A_227 = arith.select %and3A_224, %add3A_226, %scan3A_124 : i32
        %ne3A_228 = arith.cmpi ne, %add3A_131, %add3A_140 : i32
        %or3A_229 = arith.constant false
        %or3A_230 = arith.ori %or3A_229, %ne3A_228 : i1
        %or3A_231 = arith.constant false
        %or3A_232 = arith.ori %or3A_230, %or3A_231 : i1
        %not3A_233 = arith.constant true
        %not3A_234 = arith.xori %eq3A_128, %not3A_233 : i1
        %and3A_235 = arith.andi %or3A_232, %not3A_234 : i1
        %convert_element_type3A_236 = arith.extui %and3A_235 : i1 to i32
        %cond3A_237 = arith.constant 0 : i32
        %cond3A_238 = arith.cmpi ne, %convert_element_type3A_236, %cond3A_237 : i32
        scf.if %cond3A_238 {
        } else {
        }
        %and3A_239 = arith.constant false
        %and3A_240 = arith.andi %and3A_235, %and3A_239 : i1
        %ne3A_241 = arith.cmpi ne, %add3A_131, %add3A_140 : i32
        %or3A_242 = arith.constant false
        %or3A_243 = arith.ori %or3A_242, %ne3A_241 : i1
        %or3A_244 = arith.constant false
        %or3A_245 = arith.ori %or3A_243, %or3A_244 : i1
        %not3A_246 = arith.constant true
        %not3A_247 = arith.xori %eq3A_128, %not3A_246 : i1
        %and3A_248 = arith.andi %or3A_245, %not3A_247 : i1
        %convert_element_type3A_249 = arith.extui %and3A_248 : i1 to i32
        %cond3A_250 = arith.constant 0 : i32
        %cond3A_251 = arith.cmpi ne, %convert_element_type3A_249, %cond3A_250 : i32
        scf.if %cond3A_251 {
          "tpu.trace_start"() <{level = 10 : i32, message = "ep_wait_out"}> : () -> ()
          %rem3A_274 = arith.constant 2 : i32
          %rem3A_275 = arith.remui %scan3A_125, %rem3A_274 : i32
          %mul3A_276 = arith.constant 128 : i32
          %mul3A_277 = arith.muli %mul3A_276, %add3A_140 : i32
          %dma_wait3A_278 = arith.constant 0 : i32
          %dma_wait3A_279 = arith.constant 0 : i32
          %dma_wait3A_280 = tpu.memref_slice %run_scoped3A_8[%rem3A_275, %dma_wait3A_278, %dma_wait3A_279] : memref<2x128x256xf32, #tpu.memory_space<vmem>> -> memref<1x128x256xf32, #tpu.memory_space<vmem>>
          %dma_wait3A_281 = tpu.memref_squeeze %dma_wait3A_280 : memref<1x128x256xf32, #tpu.memory_space<vmem>> -> memref<128x256xf32, #tpu.memory_space<vmem>>
          %dma_wait3A_282 = arith.constant 0 : i32
          %dma_wait3A_283 = tpu.memref_slice %arg4[%mul3A_277, %dma_wait3A_282] : memref<8192x256xf32, #tpu.memory_space<hbm>> -> memref<128x256xf32, #tpu.memory_space<hbm>>
          %dma_wait3A_284 = tpu.memref_slice %run_scoped3A_9[%rem3A_275] : memref<2x!tpu.dma_semaphore, #tpu.memory_space<semaphore_mem>> -> memref<1x!tpu.dma_semaphore, #tpu.memory_space<semaphore_mem>>
          %dma_wait3A_285 = tpu.memref_squeeze %dma_wait3A_284 : memref<1x!tpu.dma_semaphore, #tpu.memory_space<semaphore_mem>> -> memref<!tpu.dma_semaphore, #tpu.memory_space<semaphore_mem>>
          %dma_wait3A_286 = arith.constant 0 : i32
          %dma_wait3A_287 = tpu.memref_slice %arg4[%mul3A_277, %dma_wait3A_286] : memref<8192x256xf32, #tpu.memory_space<hbm>> -> memref<128x256xf32, #tpu.memory_space<hbm>>
          %dma_wait3A_288 = arith.constant 0 : i32
          %dma_wait3A_289 = arith.constant 0 : i32
          %dma_wait3A_290 = tpu.memref_slice %run_scoped3A_8[%rem3A_275, %dma_wait3A_288, %dma_wait3A_289] : memref<2x128x256xf32, #tpu.memory_space<vmem>> -> memref<1x128x256xf32, #tpu.memory_space<vmem>>
          %dma_wait3A_291 = tpu.memref_squeeze %dma_wait3A_290 : memref<1x128x256xf32, #tpu.memory_space<vmem>> -> memref<128x256xf32, #tpu.memory_space<vmem>>
          tpu.wait_dma2 semaphore(%dma_wait3A_285 : memref<!tpu.dma_semaphore, #tpu.memory_space<semaphore_mem>>) src(%dma_wait3A_291 : memref<128x256xf32, #tpu.memory_space<vmem>>) dst(%dma_wait3A_287 : memref<128x256xf32, #tpu.memory_space<hbm>>)
          "tpu.trace_stop"() : () -> ()
        } else {
        }
        %and3A_252 = arith.constant true
        %and3A_253 = arith.andi %and3A_248, %and3A_252 : i1
        %add3A_254 = arith.constant 1 : i32
        %add3A_255 = arith.addi %scan3A_125, %add3A_254 : i32
        %select_n3A_256 = arith.select %and3A_253, %add3A_255, %scan3A_125 : i32
        %ne3A_257 = arith.cmpi ne, %add3A_131, %add3A_149 : i32
        %or3A_258 = arith.constant false
        %or3A_259 = arith.ori %or3A_258, %ne3A_257 : i1
        %or3A_260 = arith.constant false
        %or3A_261 = arith.ori %or3A_259, %or3A_260 : i1
        %or3A_262 = arith.ori %or3A_261, %eq3A_130 : i1
        %add3A_263 = arith.constant 1 : i32
        %add3A_264 = arith.addi %scan3A_123, %add3A_263 : i32
        %select_n3A_265 = arith.select %or3A_262, %add3A_264, %scan3A_123 : i32
        %add3A_266 = arith.constant 1 : i32
        %add3A_267 = arith.addi %scan3A_126, %add3A_266 : i32
        %select_n3A_268 = arith.constant true
        %select_n3A_269 = arith.select %select_n3A_268, %add3A_267, %scan3A_126 : i32
        %eq3A_270 = arith.constant 2 : i32
        %eq3A_271 = arith.cmpi eq, %select_n3A_269, %eq3A_270 : i32
        %select_n3A_272 = arith.constant 0 : i32
        %select_n3A_273 = arith.select %eq3A_271, %select_n3A_272, %select_n3A_269 : i32
        scf.yield %select_n3A_169, %select_n3A_265, %select_n3A_227, %select_n3A_256, %select_n3A_273 : i32, i32, i32, i32, i32
      }
      %scan3A_68 = arith.constant 2 : i32
      %sub3A = arith.constant 1 : i32
      %sub3A_69 = arith.subi %scan3A_67#4, %sub3A : i32
      %select_n3A_70 = arith.constant true
      %select_n3A_71 = arith.select %select_n3A_70, %sub3A_69, %scan3A_67#4 : i32
      %eq3A_72 = arith.constant -1 : i32
      %eq3A_73 = arith.cmpi eq, %select_n3A_71, %eq3A_72 : i32
      %select_n3A_74 = arith.constant 1 : i32
      %select_n3A_75 = arith.select %eq3A_73, %select_n3A_74, %select_n3A_71 : i32
      %add3A_76 = arith.addi %select_n3A_75, %mul3A_6 : i32
      %sub3A_77 = arith.constant 1 : i32
      %sub3A_78 = arith.subi %select_n3A_75, %sub3A_77 : i32
      %select_n3A_79 = arith.constant true
      %select_n3A_80 = arith.select %select_n3A_79, %sub3A_78, %select_n3A_75 : i32
      %eq3A_81 = arith.constant -1 : i32
      %eq3A_82 = arith.cmpi eq, %select_n3A_80, %eq3A_81 : i32
      %select_n3A_83 = arith.constant 1 : i32
      %select_n3A_84 = arith.select %eq3A_82, %select_n3A_83, %select_n3A_80 : i32
      %add3A_85 = arith.addi %select_n3A_84, %mul3A_6 : i32
      %add3A_86 = arith.constant 1 : i32
      %add3A_87 = arith.addi %select_n3A_75, %add3A_86 : i32
      %select_n3A_88 = arith.constant true
      %select_n3A_89 = arith.select %select_n3A_88, %add3A_87, %select_n3A_75 : i32
      %eq3A_90 = arith.constant 2 : i32
      %eq3A_91 = arith.cmpi eq, %select_n3A_89, %eq3A_90 : i32
      %select_n3A_92 = arith.constant 0 : i32
      %select_n3A_93 = arith.select %eq3A_91, %select_n3A_92, %select_n3A_89 : i32
      %add3A_94 = arith.addi %select_n3A_93, %mul3A_6 : i32
      %add3A_95 = arith.constant 1 : i32
      %add3A_96 = arith.addi %select_n3A_93, %add3A_95 : i32
      %select_n3A_97 = arith.constant true
      %select_n3A_98 = arith.select %select_n3A_97, %add3A_96, %select_n3A_93 : i32
      %eq3A_99 = arith.constant 2 : i32
      %eq3A_100 = arith.cmpi eq, %select_n3A_98, %eq3A_99 : i32
      %select_n3A_101 = arith.constant 0 : i32
      %select_n3A_102 = arith.select %eq3A_100, %select_n3A_101, %select_n3A_98 : i32
      %add3A_103 = arith.addi %select_n3A_102, %mul3A_6 : i32
      "tpu.trace_start"() <{level = 10 : i32, message = "ep_finalize"}> : () -> ()
      %rem3A_104 = arith.constant 2 : i32
      %rem3A_105 = arith.remui %scan3A_67#3, %rem3A_104 : i32
      %mul3A_106 = arith.constant 128 : i32
      %mul3A_107 = arith.muli %mul3A_106, %add3A_76 : i32
      %dma_wait3A = arith.constant 0 : i32
      %dma_wait3A_108 = arith.constant 0 : i32
      %dma_wait3A_109 = tpu.memref_slice %run_scoped3A_8[%rem3A_105, %dma_wait3A, %dma_wait3A_108] : memref<2x128x256xf32, #tpu.memory_space<vmem>> -> memref<1x128x256xf32, #tpu.memory_space<vmem>>
      %dma_wait3A_110 = tpu.memref_squeeze %dma_wait3A_109 : memref<1x128x256xf32, #tpu.memory_space<vmem>> -> memref<128x256xf32, #tpu.memory_space<vmem>>
      %dma_wait3A_111 = arith.constant 0 : i32
      %dma_wait3A_112 = tpu.memref_slice %arg4[%mul3A_107, %dma_wait3A_111] : memref<8192x256xf32, #tpu.memory_space<hbm>> -> memref<128x256xf32, #tpu.memory_space<hbm>>
      %dma_wait3A_113 = tpu.memref_slice %run_scoped3A_9[%rem3A_105] : memref<2x!tpu.dma_semaphore, #tpu.memory_space<semaphore_mem>> -> memref<1x!tpu.dma_semaphore, #tpu.memory_space<semaphore_mem>>
      %dma_wait3A_114 = tpu.memref_squeeze %dma_wait3A_113 : memref<1x!tpu.dma_semaphore, #tpu.memory_space<semaphore_mem>> -> memref<!tpu.dma_semaphore, #tpu.memory_space<semaphore_mem>>
      %dma_wait3A_115 = arith.constant 0 : i32
      %dma_wait3A_116 = tpu.memref_slice %arg4[%mul3A_107, %dma_wait3A_115] : memref<8192x256xf32, #tpu.memory_space<hbm>> -> memref<128x256xf32, #tpu.memory_space<hbm>>
      %dma_wait3A_117 = arith.constant 0 : i32
      %dma_wait3A_118 = arith.constant 0 : i32
      %dma_wait3A_119 = tpu.memref_slice %run_scoped3A_8[%rem3A_105, %dma_wait3A_117, %dma_wait3A_118] : memref<2x128x256xf32, #tpu.memory_space<vmem>> -> memref<1x128x256xf32, #tpu.memory_space<vmem>>
      %dma_wait3A_120 = tpu.memref_squeeze %dma_wait3A_119 : memref<1x128x256xf32, #tpu.memory_space<vmem>> -> memref<128x256xf32, #tpu.memory_space<vmem>>
      tpu.wait_dma2 semaphore(%dma_wait3A_114 : memref<!tpu.dma_semaphore, #tpu.memory_space<semaphore_mem>>) src(%dma_wait3A_120 : memref<128x256xf32, #tpu.memory_space<vmem>>) dst(%dma_wait3A_116 : memref<128x256xf32, #tpu.memory_space<hbm>>)
      "tpu.trace_stop"() : () -> ()
      tpu.yield
    }) : () -> ()
    return
  }
}

module attributes {stable_mosaic.version = 14 : i64} {
  func.func @_argmin_body(%arg0: i32, %arg1: i32, %arg2: memref<512x256xf32, #tpu.memory_space<vmem>>, %arg3: memref<256x512xf32, #tpu.memory_space<vmem>>, %arg4: memref<512x1xf32, #tpu.memory_space<vmem>>, %arg5: memref<1x512xf32, #tpu.memory_space<vmem>>, %arg6: memref<512x1xi32, #tpu.memory_space<vmem>>, %arg7: memref<512x1xf32, #tpu.memory_space<vmem>>, %arg8: memref<512x1xi32, #tpu.memory_space<vmem>>) attributes {dimension_semantics = [#tpu.dimension_semantics<arbitrary>, #tpu.dimension_semantics<arbitrary>], iteration_bounds = array<i64: 16, 16>, scalar_prefetch = 0 : i64, scratch_operands = 2 : i64, tpu.core_type = #tpu.core_type<tc>, window_params = [{transform_indices = @transform_0, window_bounds = array<i64: 512, 256>}, {transform_indices = @transform_1, window_bounds = array<i64: 256, 512>}, {transform_indices = @transform_2, window_bounds = array<i64: 512, 1>}, {transform_indices = @transform_3, window_bounds = array<i64: 1, 512>}, {transform_indices = @transform_4, window_bounds = array<i64: 512, 1>}]} {
    %get3A = arith.constant 0 : index
    %get3A_0 = arith.constant 0 : index
    %get3A_1 = vector.load %arg2[%get3A, %get3A_0] : memref<512x256xf32, #tpu.memory_space<vmem>>, vector<512x256xf32>
    %get3A_2 = arith.constant 0 : index
    %get3A_3 = arith.constant 0 : index
    %get3A_4 = vector.load %arg3[%get3A_2, %get3A_3] : memref<256x512xf32, #tpu.memory_space<vmem>>, vector<256x512xf32>
    %dot_general3A = arith.constant dense<0.000000e+00> : vector<512x512xf32>
    %dot_general3A_5 = tpu.matmul %get3A_1, %get3A_4, %dot_general3A {dimension_numbers = #tpu.dot_dimension_numbers<[1], [0], [0], [1], [0, 0, 1, 1], [], []>, transpose_lhs_hint = false} : vector<512x256xf32>, vector<256x512xf32>, vector<512x512xf32> -> vector<512x512xf32>
    %get3A_6 = arith.constant 0 : index
    %get3A_7 = arith.constant 0 : index
    %get3A_8 = vector.load %arg4[%get3A_6, %get3A_7] : memref<512x1xf32, #tpu.memory_space<vmem>>, vector<512x1xf32>
    %mul3A = arith.constant 2.000000e+00 : f32
    %mul3A_9 = vector.broadcast %mul3A : f32 to vector<512x512xf32>
    %mul3A_10 = arith.mulf %mul3A_9, %dot_general3A_5 : vector<512x512xf32>
    %sub3A = vector.broadcast %get3A_8 : vector<512x1xf32> to vector<512x512xf32>
    %sub3A_11 = arith.subf %sub3A, %mul3A_10 : vector<512x512xf32>
    %get3A_12 = arith.constant 0 : index
    %get3A_13 = arith.constant 0 : index
    %get3A_14 = vector.load %arg5[%get3A_12, %get3A_13] : memref<1x512xf32, #tpu.memory_space<vmem>>, vector<1x512xf32>
    %add3A = vector.broadcast %get3A_14 : vector<1x512xf32> to vector<512x512xf32>
    %add3A_15 = arith.addf %sub3A_11, %add3A : vector<512x512xf32>
    %max3A = arith.constant 0.000000e+00 : f32
    %max3A_16 = vector.broadcast %max3A : f32 to vector<512x512xf32>
    %max3A_17 = arith.maximumf %add3A_15, %max3A_16 : vector<512x512xf32>
    %sqrt3A = math.sqrt %max3A_17 : vector<512x512xf32>
    %reduce_min3A = arith.constant dense<0x7F800000> : vector<512xf32>
    %reduce_min3A_18 = vector.multi_reduction <minimumf>, %sqrt3A, %reduce_min3A [1] : vector<512x512xf32> to vector<512xf32>
    %broadcast_in_dim3A = vector.shape_cast %reduce_min3A_18 : vector<512xf32> to vector<512x1xf32>
    %eq3A = vector.broadcast %broadcast_in_dim3A : vector<512x1xf32> to vector<512x512xf32>
    %eq3A_19 = arith.cmpf oeq, %sqrt3A, %eq3A : vector<512x512xf32>
    %iota3A = tpu.iota {dimensions = array<i32: 1>} : vector<512x512xi32>
    %jit3A = arith.constant 512 : i32
    %broadcast_in_dim3A_20 = vector.broadcast %jit3A : i32 to vector<512x512xi32>
    %select_n3A = arith.select %eq3A_19, %iota3A, %broadcast_in_dim3A_20 : vector<512x512xi1>, vector<512x512xi32>
    %reduce_min3A_21 = arith.constant dense<2147483647> : vector<512xi32>
    %reduce_min3A_22 = vector.multi_reduction <minsi>, %select_n3A, %reduce_min3A_21 [1] : vector<512x512xi32> to vector<512xi32>
    %broadcast_in_dim3A_23 = vector.shape_cast %reduce_min3A_22 : vector<512xi32> to vector<512x1xi32>
    %mul3A_24 = arith.constant 512 : i32
    %mul3A_25 = arith.muli %arg1, %mul3A_24 : i32
    %add3A_26 = vector.broadcast %mul3A_25 : i32 to vector<512x1xi32>
    %add3A_27 = arith.addi %broadcast_in_dim3A_23, %add3A_26 : vector<512x1xi32>
    %eq3A_28 = arith.constant 0 : i32
    %eq3A_29 = arith.cmpi eq, %arg1, %eq3A_28 : i32
    %convert_element_type3A = arith.extui %eq3A_29 : i1 to i32
    %cond3A = arith.constant 0 : i32
    %cond3A_30 = arith.cmpi ne, %convert_element_type3A, %cond3A : i32
    scf.if %cond3A_30 {
      %swap3A = arith.constant 0 : index
      %swap3A_40 = arith.constant 0 : index
      %swap3A_41 = vector.load %arg7[%swap3A, %swap3A_40] : memref<512x1xf32, #tpu.memory_space<vmem>>, vector<512x1xf32>
      tpu.vector_store %arg7[%swap3A, %swap3A_40], %broadcast_in_dim3A {strides = array<i32>} : memref<512x1xf32, #tpu.memory_space<vmem>>, vector<512x1xf32>,
      %swap3A_42 = arith.constant 0 : index
      %swap3A_43 = arith.constant 0 : index
      %swap3A_44 = vector.load %arg8[%swap3A_42, %swap3A_43] : memref<512x1xi32, #tpu.memory_space<vmem>>, vector<512x1xi32>
      tpu.vector_store %arg8[%swap3A_42, %swap3A_43], %add3A_27 {strides = array<i32>} : memref<512x1xi32, #tpu.memory_space<vmem>>, vector<512x1xi32>,
    } else {
    }
    %gt3A = arith.constant 0 : i32
    %gt3A_31 = arith.cmpi sgt, %arg1, %gt3A : i32
    %convert_element_type3A_32 = arith.extui %gt3A_31 : i1 to i32
    %cond3A_33 = arith.constant 0 : i32
    %cond3A_34 = arith.cmpi ne, %convert_element_type3A_32, %cond3A_33 : i32
    scf.if %cond3A_34 {
      %get3A_40 = arith.constant 0 : index
      %get3A_41 = arith.constant 0 : index
      %get3A_42 = vector.load %arg7[%get3A_40, %get3A_41] : memref<512x1xf32, #tpu.memory_space<vmem>>, vector<512x1xf32>
      %get3A_43 = arith.constant 0 : index
      %get3A_44 = arith.constant 0 : index
      %get3A_45 = vector.load %arg8[%get3A_43, %get3A_44] : memref<512x1xi32, #tpu.memory_space<vmem>>, vector<512x1xi32>
      %lt3A = arith.cmpf olt, %broadcast_in_dim3A, %get3A_42 : vector<512x1xf32>
      %select_n3A_46 = arith.select %lt3A, %broadcast_in_dim3A, %get3A_42 : vector<512x1xi1>, vector<512x1xf32>
      %swap3A = arith.constant 0 : index
      %swap3A_47 = arith.constant 0 : index
      %swap3A_48 = vector.load %arg7[%swap3A, %swap3A_47] : memref<512x1xf32, #tpu.memory_space<vmem>>, vector<512x1xf32>
      tpu.vector_store %arg7[%swap3A, %swap3A_47], %select_n3A_46 {strides = array<i32>} : memref<512x1xf32, #tpu.memory_space<vmem>>, vector<512x1xf32>,
      %select_n3A_49 = arith.select %lt3A, %add3A_27, %get3A_45 : vector<512x1xi1>, vector<512x1xi32>
      %swap3A_50 = arith.constant 0 : index
      %swap3A_51 = arith.constant 0 : index
      %swap3A_52 = vector.load %arg8[%swap3A_50, %swap3A_51] : memref<512x1xi32, #tpu.memory_space<vmem>>, vector<512x1xi32>
      tpu.vector_store %arg8[%swap3A_50, %swap3A_51], %select_n3A_49 {strides = array<i32>} : memref<512x1xi32, #tpu.memory_space<vmem>>, vector<512x1xi32>,
    } else {
    }
    %eq3A_35 = arith.constant 15 : i32
    %eq3A_36 = arith.cmpi eq, %arg1, %eq3A_35 : i32
    %convert_element_type3A_37 = arith.extui %eq3A_36 : i1 to i32
    %cond3A_38 = arith.constant 0 : i32
    %cond3A_39 = arith.cmpi ne, %convert_element_type3A_37, %cond3A_38 : i32
    scf.if %cond3A_39 {
      %get3A_40 = arith.constant 0 : index
      %get3A_41 = arith.constant 0 : index
      %get3A_42 = vector.load %arg8[%get3A_40, %get3A_41] : memref<512x1xi32, #tpu.memory_space<vmem>>, vector<512x1xi32>
      %swap3A = arith.constant 0 : index
      %swap3A_43 = arith.constant 0 : index
      %swap3A_44 = vector.load %arg6[%swap3A, %swap3A_43] : memref<512x1xi32, #tpu.memory_space<vmem>>, vector<512x1xi32>
      tpu.vector_store %arg6[%swap3A, %swap3A_43], %get3A_42 {strides = array<i32>} : memref<512x1xi32, #tpu.memory_space<vmem>>, vector<512x1xi32>,
    } else {
    }
    return
  }
  func.func @transform_0(%arg0: i32, %arg1: i32) -> (i32, i32) {
    %c0_i32 = arith.constant 0 : i32
    %c0_i32_0 = arith.constant 0 : i32
    return %arg0, %c0_i32 : i32, i32
  }
  func.func @transform_1(%arg0: i32, %arg1: i32) -> (i32, i32) {
    %c0_i32 = arith.constant 0 : i32
    %c0_i32_0 = arith.constant 0 : i32
    return %c0_i32, %arg1 : i32, i32
  }
  func.func @transform_2(%arg0: i32, %arg1: i32) -> (i32, i32) {
    %c0_i32 = arith.constant 0 : i32
    %c0_i32_0 = arith.constant 0 : i32
    return %arg0, %c0_i32 : i32, i32
  }
  func.func @transform_3(%arg0: i32, %arg1: i32) -> (i32, i32) {
    %c0_i32 = arith.constant 0 : i32
    %c0_i32_0 = arith.constant 0 : i32
    return %c0_i32, %arg1 : i32, i32
  }
  func.func @transform_4(%arg0: i32, %arg1: i32) -> (i32, i32) {
    %c0_i32 = arith.constant 0 : i32
    %c0_i32_0 = arith.constant 0 : i32
    return %arg0, %c0_i32 : i32, i32
  }
}

</mosaic_0001>

<sc_bundles>
// kernel: kernel.4.cloned.1.call-start
scs
__scs_entry_jumppad:
0x0: {  	(pc) =	sbr.rel $0x88, $3  }
0x1: {  	(tag) =	ssettag $0x0;
	lr =	simm.s32 $0x1  }
0x2: {  	[smem:$0x3F9F] =	sst lr;
	_ =	strace $0xD0000000  }
0x3: {  	_ = 	snop  }
0x4: {  	_ = 	snop  }
0x5: {  	_ = 	snop  }
0x6: {  	_ = 	snop  }
0x7: {  	_ = 	snop  }
__scs_overlays_trampoline_lowered:
0x8: {  	[smem:$0x3FAE] =	sst s0  }
0x9: {  	[smem:$0x3FAF] =	sst s1  }
0xa: {  	[smem:$0x3FB0] =	sst s2  }
0xb: {  	[smem:$0x3FB1] =	sst s3  }
0xc: {  	[smem:$0x3FB2] =	sst s4  }
0xd: {  	[smem:$0x3FB3] =	sst s5  }
0xe: {  	[smem:$0x3FB4] =	sst s6  }
0xf: {  	[smem:$0x3FB5] =	sst s7  }
0x10: {  	[smem:$0x3FB6] =	sst s8  }
0x11: {  	[smem:$0x3FB7] =	sst s9;
	s0 =	simm.s32 @!p0 $0x0  }
0x12: {  	s1 =	sld [smem:$0x3F9D];
	s0 =	simm.s32 @p0 $0x1  }
0x13: {  	[smem:$0x3FB8] =	sst s0;
	s0 =	simm.s32 @!p1 $0x0  }
0x14: {  	s2 =	sld [smem:$0x3F9C];
	s0 =	simm.s32 @p1 $0x1  }
0x15: {  	[smem:$0x3FB9] =	sst s0;
	s0 =	simm.s32 @!p2 $0x0  }
0x16: {  	s3 =	sld [smem:$0x3FDB];
	s0 =	simm.s32 @p2 $0x1  }
0x17: {  	s4 =	simm.s32 $0x1BF5;
	[smem:$0x3FBB] =	sst s0  }
0x18: {  	s0 =	sld [smem:$0x3F9E];
	_ =	swait.ge [sflag:s4], $0x0  }
0x19: {  	s7 =	sld [smem:$0x3F9F]  }
0x1a: {  	s8 =	sadd.s32 $0xFFFFE003, lr  }
0x1b: {  	s9 =	sadd.s32 $0xFFFFFEF7, lr;
	s5 =	simm.s32 $0xFFFFFFFF;
	p2 =	slt.u32 s8, $0xFFFFF086  }
0x1c: {  	p1 =	slt.u32 s9, $0xF7A;
	s5 =	simm.s32 @!p2 $0x0  }
0x1d: {  	s5 =	simm.s32 @p1 $0x1;
	p0 =	seq.s32 s7, s2  }
0x1e: {  	s7 =	smul.u32 @!p0 $0xF7A, s2;
	p2 =	seq.s32 @!p0 s5, $0x0  }
0x1f: {  	s9 =	smul.u32 $0xF7A, s1;
	s8 =	simm.s32 @!p0 $0x1BF5;
	p2 =	por !p2, p0  }
0x20: {  	[sflag:s8] =	ssyncset.s32 @!p0 $0xFFFFF086;
	s6 =	sadd.s32 @!p0 s3, s7;
	s7 =	simm.s32 @!p0 $0x108  }
0x21: {  	s3 =	sadd.s32 s3, s9;
	s6 =	sadd.s32 @!p0 $0x88, s6;
	s7 =	simm.s32 @p2 $0x1082  }
0x22: {  	[simem:s7], [sflag:s8] =	dma.local @!p0 [hbm:s6], $0xF7A  }
0x23: {  	s9 =	sor.u32 $0xD0000000, s2;
	s6 =	simm.s32 $0x108;
	_ =	swait.ge @!p0 [sflag:s8], $0x0  }
0x24: {  	s3 =	sadd.s32 $0x88, s3;
	s6 =	simm.s32 @!p1 $0x1082;
	[sflag:s4] =	ssyncset.s32 $0xFFFFF086  }
0x25: {  	[simem:s6], [sflag:s4] =	dma.local [hbm:s3], $0xF7A  }
0x26: {  	[smem:$0x3F9F] =	sst s1;
	(tag) =	ssettag s2;
	_ =	strace s9  }
0x27: {  	s1 =	sld [smem:$0x3FAF]  }
0x28: {  	s2 =	sld [smem:$0x3FB0]  }
0x29: {  	s4 =	sld [smem:$0x3FB2]  }
0x2a: {  	p0 =	seq.s32 s5, $0x0;
	s5 =	sld [smem:$0x3FB3]  }
0x2b: {  	s6 =	sld [smem:$0x3FB4]  }
0x2c: {  	s7 =	sld [smem:$0x3FB5]  }
0x2d: {  	s3 =	simm.s32 $0x108;
	s8 =	sld [smem:$0x3FB6]  }
0x2e: {  	s3 =	simm.s32 @!p0 $0x1082;
	s9 =	sld [smem:$0x3FB7]  }
0x2f: {  	lr =	sadd.s32 s0, s3;
	s0 =	sld [smem:$0x3FAE]  }
0x30: {  	s3 =	sld [smem:$0x3FB1]  }
0x31: {  	[smem:$0x3FBA] =	sst s10  }
0x32: {  	s10 =	sld [smem:$0x3FB8];
	_ =	sdelay $0x3  }
0x33: {  	p0 =	seq.s32 s10, $0x1;
	s10 =	sld [smem:$0x3FBA];
	_ =	sdelay $0x3  }
0x34: {  	[smem:$0x3FBA] =	sst s10  }
0x35: {  	s10 =	sld [smem:$0x3FB9];
	_ =	sdelay $0x3  }
0x36: {  	p1 =	seq.s32 s10, $0x1;
	s10 =	sld [smem:$0x3FBA];
	_ =	sdelay $0x3  }
0x37: {  	[smem:$0x3FBA] =	sst s10  }
0x38: {  	s10 =	sld [smem:$0x3FBB]  }
0x39: {  	_ = 	snop;
	(pc) =	sbr.ind lr, $3  }
0x3a: {  	_ = 	snop  }
0x3b: {  	_ = 	snop  }
0x3c: {  	p2 =	seq.s32 s10, $0x1;
	s10 =	sld [smem:$0x3FBA]  }
0x3d: {  	_ =	shalt  }
0x3e: {  	_ =	shalt  }
0x3f: {  	_ =	shalt  }
0x40: {  	_ =	shalt  }
0x41: {  	_ =	shalt  }
0x42: {  	_ =	shalt  }
0x43: {  	_ =	shalt  }
0x44: {  	_ =	shalt  }
0x45: {  	_ =	shalt  }
0x46: {  	_ =	shalt  }
0x47: {  	_ =	shalt  }
0x48: {  	_ =	shalt  }
0x49: {  	_ =	shalt  }
0x4a: {  	_ =	shalt  }
0x4b: {  	_ =	shalt  }
0x4c: {  	_ =	shalt  }
0x4d: {  	_ =	shalt  }
0x4e: {  	_ =	shalt  }
0x4f: {  	_ =	shalt  }
0x50: {  	_ =	shalt  }
0x51: {  	_ =	shalt  }
0x52: {  	_ =	shalt  }
0x53: {  	_ =	shalt  }
0x54: {  	_ =	shalt  }
0x55: {  	_ =	shalt  }
0x56: {  	_ =	shalt  }
0x57: {  	_ =	shalt  }
0x58: {  	_ =	shalt  }
0x59: {  	_ =	shalt  }
0x5a: {  	_ =	shalt  }
0x5b: {  	_ =	shalt  }
0x5c: {  	_ =	shalt  }
0x5d: {  	_ =	shalt  }
0x5e: {  	_ =	shalt  }
0x5f: {  	_ =	shalt  }
0x60: {  	_ =	shalt  }
0x61: {  	_ =	shalt  }
0x62: {  	_ =	shalt  }
0x63: {  	_ =	shalt  }
0x64: {  	_ =	shalt  }
0x65: {  	_ =	shalt  }
0x66: {  	_ =	shalt  }
0x67: {  	_ =	shalt  }
0x68: {  	_ =	shalt  }
0x69: {  	_ =	shalt  }
0x6a: {  	_ =	shalt  }
0x6b: {  	_ =	shalt  }
0x6c: {  	_ =	shalt  }
0x6d: {  	_ =	shalt  }
0x6e: {  	_ =	shalt  }
0x6f: {  	_ =	shalt  }
0x70: {  	_ =	shalt  }
0x71: {  	_ =	shalt  }
0x72: {  	_ =	shalt  }
0x73: {  	_ =	shalt  }
0x74: {  	_ =	shalt  }
0x75: {  	_ =	shalt  }
0x76: {  	_ =	shalt  }
0x77: {  	_ =	shalt  }
0x78: {  	_ =	shalt  }
0x79: {  	_ =	shalt  }
0x7a: {  	_ =	shalt  }
0x7b: {  	_ =	shalt  }
0x7c: {  	_ =	shalt  }
0x7d: {  	_ =	shalt  }
0x7e: {  	_ =	shalt  }
0x7f: {  	_ =	shalt  }
0x80: {  	_ =	shalt  }
0x81: {  	_ =	shalt  }
0x82: {  	_ =	shalt  }
0x83: {  	_ =	shalt  }
0x84: {  	_ =	shalt  }
0x85: {  	_ =	shalt  }
0x86: {  	_ =	shalt  }
0x87: {  	_ =	shalt  }
.Lfunc_end0:
.L_simem_size_0:
called_computation_lowered:
.L_overlay_start_0:
0x88: {  	s2 =	sld [smem:$0x3FD9]  }
0x89: {  	s3 =	sld [smem:$0x3FFE];
	_ =	sdelay $0x1  }
0x8a: {  	s1 =	srdreg.scid  }
0x8b: {  	s0 =	sand.u32 $0x1, s1  }
0x8c: {  	s14 =	sshll.u32 s0, $0xA;
	s2 =	sadd.s32 s3, s2  }
0x8d: {  	s2 =	sadd.s32 s2, s14  }
0x8e: {  	[smem:$0x3FC6] =	sst s2  }
0x8f: {  	_ = 	snop  }
0x90: {  	s2 =	sld [smem:$0x3FD0];
	_ =	sdelay $0x2  }
0x91: {  	s4 =	simm.s32 $0xA;
	s5 =	simm.s32 $0x10;
	s15 =	sld [smem:$0x3FC8]  }
0x92: {  	[smem:s5], [sflag:s4] =	dma.local [hbm:s2], $0x1  }
0x93: {  	_ =	swait.eq [sflag:s4], $0x1  }
0x94: {  	[sflag:s4] =	ssyncset.done $0x0  }
0x95: {  	[sflag:s4] =	ssyncadd.s32 $0xFFFFFFFF  }
0x96: {  	s16 =	sld [smem:$0x10];
	(tm) =	ssettm $0x1  }
0x97: {  	s17 =	sld [smem:$0x3FFB];
	_ =	sdelay $0x3  }
0x98: {  	_ =	strace s17  }
0x99: {  	s4 =	sld [smem:$0x3FFC];
	_ =	sdelay $0x3  }
0x9a: {  	_ =	strace s4  }
0x9b: {  	s4 =	sld [smem:$0x3FFD];
	_ =	sdelay $0x3  }
0x9c: {  	_ =	strace s4  }
0x9d: {  	_ =	strace $0x8FFFFFFF  }
0x9e: {  	s18 =	sld [smem:$0x3FDB];
	_ =	sdelay $0x1  }
0x9f: {  	s19 =	simm.s32 $_scs_section_size  }
0xa0: {  	s6 =	simm.s32 $_size__tile_overlayer_lowered;
	s7 =	simm.s32 $_tile_overlayer_lowered  }
0xa1: {  	s22 =	simm.s32 $0x1BFF;
	s21 =	sshll.u32 s7, $0x1;
	s4 =	sadd.s32 s19, s18  }
0xa2: {  	s8 =	simm.s32 $0x0;
	s20 =	sshll.u32 s6, $0x1;
	s6 =	sadd.s32 s21, s4  }
0xa3: {  	[timem:s8], [sflag:s22] =	dma.local [hbm:s6], s20  }
0xa4: {  	_ =	swait.ge [sflag:s22], s20  }
0xa5: {  	s5 =	ssub.s32 $0x0, s20;
	[sflag:s22] =	ssyncset.done $0x0  }
0xa6: {  	[sflag:s22] =	ssyncadd.s32 s5;
	_ =	sdelay $0x1  }
0xa7: {  	s23 =	simm.s32 $0x1B8B  }
0xa8: {  	_ =	swait.ge [sflag:s23], $0x1  }
0xa9: {  	[sflag:s23] =	ssyncset.done $0x0  }
0xaa: {  	s25 =	simm.s32 $0x1B8E;
	s24 =	sld [smem:$0x3FFE];
	[sflag:s23] =	ssyncadd.s32 $0xFFFFFFFF  }
0xab: {  	s26 =	simm.s32 $execute0_lowered;
	[smem:$0x3FD2] =	sst s25  }
0xac: {  	s6 =	sshll.u32 s26, $0x1;
	_ =	strace $0x80000046;
	[dreg:$0x1] =	wrdreg $0xFFFFFFFF  }
0xad: {  	s28 =	simm.s32 $_size_execute0_lowered;
	s4 =	sadd.s32 s4, s6;
	[dreg:$0x0] =	wrdreg $0x0  }
0xae: {  	s6 =	sshll.u32 s28, $0x1;
	[dreg:$0x2] =	wrdreg s4  }
0xaf: {  	[dreg:$0x3] =	wrdreg s6  }
0xb0: {  	[dreg:$0x4] =	wrdreg $0xC0  }
0xb1: {  	_ =	task [dreg:s8], $0x5FFFF  }
0xb2: {  	[dreg:$0x1] =	wrdreg $0xFFFFFFFF  }
0xb3: {  	[dreg:$0x0] =	wrdreg $0x60  }
0xb4: {  	[dreg:$0x2] =	wrdreg s15  }
0xb5: {  	[dreg:$0x3] =	wrdreg s24  }
0xb6: {  	[dreg:$0x4] =	wrdreg s16  }
0xb7: {  	[dreg:$0x5] =	wrdreg $0x9  }
0xb8: {  	_ =	task.clear_ibuf [dreg:s8], $0x6FFFF;
	_ =	strace $0x90000046  }
0xb9: {  	s29 =	simm.s32 $0x9;
	_ =	strace $0x8000004F  }
0xba: {  	_ =	swait.ge [sflag:s29], $0x1  }
0xbb: {  	[sflag:s29] =	ssyncadd.s32 $0xFFFFFFFF  }
0xbc: {  	_ =	strace $0x9000004F  }
0xbd: {  	_ =	sfence  }
0xbe: {  	s30 =	sld [smem:$0x0];
	_ =	sdelay $0x2  }
0xbf: {  	s31 =	sshll.u32 s1, $0xD;
	s1 =	sshrl.u32 s1, $0x2  }
0xc0: {  	s3 =	sand.u32 $0x4000, s31;
	s1 =	sadd.s32 s1, s30  }
0xc1: {  	s0 =	sor.u32 s3, s0;
	s1 =	sshll.u32 s1, $0x11  }
0xc2: {  	s0 =	sor.u32 s1, s0  }
0xc3: {  	s0 =	sadd.s32 $0x8F2B, s0  }
0xc4: {  	[sflag:s0] =	ssyncadd.remote.s32 $0x1  }
0xc5: {  	_ =	sfence.sel $0xFFFF  }
0xc6: {  	[dreg:$0x0] =	wrdreg $0xFFFFFFFF;
	(pc) =	sbr.abs _section_cstart, $3  }
0xc7: {  	[dreg:$0x1] =	wrdreg $0xFFFFFFFF  }
0xc8: {  	_ =	task.clear_ibuf [dreg:s8], $0x2FFFF;
	_ =	strace $0x9FFFFFFF  }
0xc9: {  	(tm) =	ssettm $0x7FFFFFFF  }
tec
execute0_lowered:
.L_overlay_start_1:
0x0: {  	(tag) =	ssettag $0x1  }
0x1: {  	s1 =	rddreg [dreg:$0x0]  }
0x2: {  	s2 =	rddreg [dreg:$0x1]  }
0x3: {  	s4 =	rddreg [dreg:$0x2]  }
0x4: {  	s0 =	rddreg [dreg:$0x3];
	s6 =	srdreg.scid;
	s5 =	simm.s32 $0x0  }
0x5: {  	s3 =	stileid.u32;
	s11 =	simm.s32 $0x0;
	s6 =	sand.u32 $0x1, s6  }
0x6: {  	[smem:$0x7FF] =	sst s5;
	s8 =	sshll.u32 s3, $0x1;
	s29 =	sshll.u32 s3, $0x5  }
.Ltmp0:
0x7: {  	s7 =	sshll.u32 s6, $0x5;
	s9 =	ssub.s32 $0x2, s6;
	(pc) =	sbr.rel .LBB2_1-.Ltmp0, $4  }
0x8: {  	_ =	strace $0x80000047;
	s6 =	sor.u32 s8, s7;
	s30 =	sshrl.u32 s9, $0x1  }
0x9: {  	v2 =	vlaneseq.u32;
	s7 =	sand.u32 $0x60, s29;
	s10 =	sshll.u32 s6, $0x4;
	s8 =	ssub.s32 s9, s30  }
0xa: {  	vm0 =	vmmov $0xffff;
	v1 =	vshrl.u32 v2, $0x3;
	s7 =	sadd.s32 s2, s7;
	s9 =	simm.s32 $0x5;
	s31 =	sand.u32 $0x380, s10  }
0xb: {  	v0 =	vand.u32 $0x7, v2;
	v2 =	vor.u32 $0x8, v2;
	v1 =	vmul.u32 $0x8, v1;
	s8 =	smax.u32 s8, $0x1;
	s10 =	simm.s32 $0x4;
	s7 =	sadd.s32 s31, s7  }
.LBB2_4:
0xc: {  	s12 =	sand.u32 $0x1, s12  }
0xd: {  	_ =	strace $0x8000004D;
	s12 =	sadd.s32 $0x3, s12  }
0xe: {  	_ =	swait.ge [sflag:s12], $0x8000  }
0xf: {  	[sflag:s12] =	ssyncset.done $0x0  }
0x10: {  	s11 =	sadd.s32 $0x1, s11;
	[sflag:s12] =	ssyncadd.s32 $0xFFFF8000  }
0x11: {  	p0 =	sne.s32 s11, s8;
	_ =	strace $0x9000004D  }
.Ltmp1:
0x12: {  	_ =	strace $0x8000004E;
	(pc) =	sbr.rel @!p0 .LBB2_5-.Ltmp1, $4  }
0x13: {  	_ =	swait.ge [sflag:s10], $0x8000  }
0x14: {  	[sflag:s10] =	ssyncset.done $0x0  }
0x15: {  	[sflag:s10] =	ssyncadd.s32 $0xFFFF8000  }
0x16: {  	_ =	strace $0x9000004E  }
.LBB2_1:
0x17: {  	_ =	strace $0x80000048  }
0x18: {  	p0 =	por $0x1, $0x1;
	p2 =	por $0x0, $0x0;
	s13 =	simm.s32 $0x0  }
0x19: {  	s12 =	simm.s32 $0x0;
	s17 =	simm.s32 $0x0;
	s14 =	simm.s32 $0x0  }
0x1a: {  	[tilespmem:s5], [sflag:$0x1] =	stream.linear.gather [hbm4b:s7+s5], $0x80, $0x200038;
	[tilespmem:$0x10100] =	vst v63  }
0x1b: {  	s15 =	simm.s32 $0x1;
	s16 =	simm.s32 $0x0;
	_ =	strace $0x90000048  }
.LBB2_2:
0x1c: {  	s18 =	smov.u32 s13;
	s13 =	sadd.s32 $0x1, s13  }
0x1d: {  	p1 =	seq.s32 s13, $0x2  }
0x1e: {  	s13 =	simm.s32 @p1 $0x0  }
0x1f: {  	p1 =	sne.s32 s18, s13  }
0x20: {  	p1 =	por !p0, !p1  }
0x21: {  	p1 =	por !p1, !p1  }
0x22: {  	s19 =	sadd.s32 @p1 s6, s13  }
0x23: {  	s20 =	sand.u32 @p1 $0x1, s15;
	s19 =	sshll.u32 @p1 s19, $0x4  }
0x24: {  	_ =	strace @p1 $0x80000049;
	s22 =	simm.s32 @p1 $0x0;
	s19 =	sand.u32 @p1 $0x1FFFFFF0, s19  }
0x25: {  	s21 =	sshll.u32 @p1 s20, $0x7;
	s20 =	sadd.s32 @p1 $0x1, s20;
	s19 =	sadd.s32 @p1 s2, s19  }
0x26: {  	[tilespmem:s21], [sflag:s20] =	stream.linear.gather @p1 [hbm4b:s19+s22], $0x80, $0x200038;
	[tilespmem:$0x10100] =	vst v63  }
0x27: {  	s23 =	sand.u32 $0x1, s14;
	_ =	strace @p1 $0x90000049  }
0x28: {  	s19 =	sadd.s32 $0x1, s23;
	_ =	strace $0x8000004A  }
0x29: {  	_ =	swait.ge [sflag:s19], $0x80  }
0x2a: {  	[sflag:s19] =	ssyncset.done $0x0  }
0x2b: {  	[sflag:s19] =	ssyncadd.s32 $0xFFFFFF80  }
0x2c: {  	s24 =	sshll.u32 s14, $0x7;
	_ =	strace $0x9000004A  }
0x2d: {  	s22 =	sand.u32 $0x80, s24;
	_ =	strace $0x8000004B  }
0x2e: {  	v3 =	vld [tilespmem:s22+$0x0];
	_ =	sdelay $0x4  }
0x2f: {  	v4 =	vshll.u32 v3, $0x1  }
0x30: {  	v3 =	vand.u32 $0x7, v3;
	v4 =	vand.u32 $0xFFFFFFF0, v4  }
0x31: {  	v3 =	vor.u32 v3, v4  }
0x32: {  	v4 =	vperm.xlane v3, v0;
	_ =	sdelay $0x1  }
0x33: {  	v3 =	vperm.xlane v3, v2;
	v4 =	vadd.s32 v1, v4;
	_ =	sdelay $0x1  }
0x34: {  	s19 =	sand.u32 $0x1, s17;
	v3 =	vadd.s32 v1, v3  }
0x35: {  	s21 =	sshll.u32 s19, $0xF  }
0x36: {  	s20 =	sor.u32 $0x100, s21  }
0x37: {  	[tilespmem:s20], [sflag:$0x5] =	stream.indirect_vreg.gather [hbm4b:s1+s5], $0x80, v4, vm0, $0x2000b8;
	[tilespmem:$0x10100] =	vst v63  }
0x38: {  	s23 =	sor.u32 $0x900, s21  }
0x39: {  	[tilespmem:s23], [sflag:$0x5] =	stream.indirect_vreg.gather [hbm4b:s1+s5], $0x80, v3, vm0, $0x2000b8;
	[tilespmem:$0x10100] =	vst v63  }
0x3a: {  	v3 =	vld [tilespmem:s22+$0x10];
	_ =	sdelay $0x4  }
0x3b: {  	v57 =	vshll.u32 v3, $0x1  }
0x3c: {  	v3 =	vand.u32 $0x7, v3;
	v4 =	vand.u32 $0xFFFFFFF0, v57  }
0x3d: {  	v3 =	vor.u32 v3, v4  }
0x3e: {  	v4 =	vperm.xlane v3, v0;
	_ =	sdelay $0x1  }
0x3f: {  	v3 =	vperm.xlane v3, v2;
	v4 =	vadd.s32 v1, v4;
	_ =	sdelay $0x1  }
0x40: {  	v3 =	vadd.s32 v1, v3;
	_ =	sdelay $0x1  }
0x41: {  	s25 =	sor.u32 $0x1100, s21  }
0x42: {  	[tilespmem:s25], [sflag:$0x5] =	stream.indirect_vreg.gather [hbm4b:s1+s5], $0x80, v4, vm0, $0x2000b8;
	[tilespmem:$0x10100] =	vst v63  }
0x43: {  	s26 =	sor.u32 $0x1900, s21  }
0x44: {  	[tilespmem:s26], [sflag:$0x5] =	stream.indirect_vreg.gather [hbm4b:s1+s5], $0x80, v3, vm0, $0x2000b8;
	[tilespmem:$0x10100] =	vst v63  }
0x45: {  	v3 =	vld [tilespmem:s22+$0x20];
	_ =	sdelay $0x4  }
0x46: {  	v58 =	vshll.u32 v3, $0x1  }
0x47: {  	v3 =	vand.u32 $0x7, v3;
	v4 =	vand.u32 $0xFFFFFFF0, v58  }
0x48: {  	v3 =	vor.u32 v3, v4  }
0x49: {  	v4 =	vperm.xlane v3, v0;
	_ =	sdelay $0x1  }
0x4a: {  	v3 =	vperm.xlane v3, v2;
	v4 =	vadd.s32 v1, v4;
	_ =	sdelay $0x1  }
0x4b: {  	v3 =	vadd.s32 v1, v3;
	_ =	sdelay $0x1  }
0x4c: {  	s28 =	sor.u32 $0x2100, s21  }
0x4d: {  	[tilespmem:s28], [sflag:$0x5] =	stream.indirect_vreg.gather [hbm4b:s1+s5], $0x80, v4, vm0, $0x2000b8;
	[tilespmem:$0x10100] =	vst v63  }
0x4e: {  	s29 =	sor.u32 $0x2900, s21  }
0x4f: {  	[tilespmem:s29], [sflag:$0x5] =	stream.indirect_vreg.gather [hbm4b:s1+s5], $0x80, v3, vm0, $0x2000b8;
	[tilespmem:$0x10100] =	vst v63  }
0x50: {  	v3 =	vld [tilespmem:s22+$0x30];
	_ =	sdelay $0x4  }
0x51: {  	v59 =	vshll.u32 v3, $0x1  }
0x52: {  	v3 =	vand.u32 $0x7, v3;
	v4 =	vand.u32 $0xFFFFFFF0, v59  }
0x53: {  	v3 =	vor.u32 v3, v4  }
0x54: {  	v4 =	vperm.xlane v3, v0;
	_ =	sdelay $0x1  }
0x55: {  	v3 =	vperm.xlane v3, v2;
	v4 =	vadd.s32 v1, v4;
	_ =	sdelay $0x1  }
0x56: {  	v3 =	vadd.s32 v1, v3;
	_ =	sdelay $0x1  }
0x57: {  	s30 =	sor.u32 $0x3100, s21  }
0x58: {  	[tilespmem:s30], [sflag:$0x5] =	stream.indirect_vreg.gather [hbm4b:s1+s5], $0x80, v4, vm0, $0x2000b8;
	[tilespmem:$0x10100] =	vst v63  }
0x59: {  	s31 =	sor.u32 $0x3900, s21  }
0x5a: {  	[tilespmem:s31], [sflag:$0x5] =	stream.indirect_vreg.gather [hbm4b:s1+s5], $0x80, v3, vm0, $0x2000b8;
	[tilespmem:$0x10100] =	vst v63  }
0x5b: {  	v3 =	vld [tilespmem:s22+$0x40];
	_ =	sdelay $0x4  }
0x5c: {  	v60 =	vshll.u32 v3, $0x1  }
0x5d: {  	v3 =	vand.u32 $0x7, v3;
	v4 =	vand.u32 $0xFFFFFFF0, v60  }
0x5e: {  	v3 =	vor.u32 v3, v4  }
0x5f: {  	v4 =	vperm.xlane v3, v0;
	_ =	sdelay $0x1  }
0x60: {  	v3 =	vperm.xlane v3, v2;
	v4 =	vadd.s32 v1, v4;
	_ =	sdelay $0x1  }
0x61: {  	v3 =	vadd.s32 v1, v3;
	_ =	sdelay $0x1  }
0x62: {  	s24 =	sor.u32 $0x4100, s21  }
0x63: {  	[tilespmem:s24], [sflag:$0x5] =	stream.indirect_vreg.gather [hbm4b:s1+s5], $0x80, v4, vm0, $0x2000b8;
	[tilespmem:$0x10100] =	vst v63  }
0x64: {  	s25 =	sor.u32 $0x4900, s21  }
0x65: {  	[tilespmem:s25], [sflag:$0x5] =	stream.indirect_vreg.gather [hbm4b:s1+s5], $0x80, v3, vm0, $0x2000b8;
	[tilespmem:$0x10100] =	vst v63  }
0x66: {  	v3 =	vld [tilespmem:s22+$0x50];
	_ =	sdelay $0x4  }
0x67: {  	v61 =	vshll.u32 v3, $0x1  }
0x68: {  	v3 =	vand.u32 $0x7, v3;
	v4 =	vand.u32 $0xFFFFFFF0, v61  }
0x69: {  	v3 =	vor.u32 v3, v4  }
0x6a: {  	v4 =	vperm.xlane v3, v0;
	_ =	sdelay $0x1  }
0x6b: {  	v3 =	vperm.xlane v3, v2;
	v4 =	vadd.s32 v1, v4;
	_ =	sdelay $0x1  }
0x6c: {  	v3 =	vadd.s32 v1, v3;
	_ =	sdelay $0x1  }
0x6d: {  	s26 =	sor.u32 $0x5100, s21  }
0x6e: {  	[tilespmem:s26], [sflag:$0x5] =	stream.indirect_vreg.gather [hbm4b:s1+s5], $0x80, v4, vm0, $0x2000b8;
	[tilespmem:$0x10100] =	vst v63  }
0x6f: {  	s28 =	sor.u32 $0x5900, s21  }
0x70: {  	[tilespmem:s28], [sflag:$0x5] =	stream.indirect_vreg.gather [hbm4b:s1+s5], $0x80, v3, vm0, $0x2000b8;
	[tilespmem:$0x10100] =	vst v63  }
0x71: {  	v3 =	vld [tilespmem:s22+$0x60];
	_ =	sdelay $0x4  }
0x72: {  	v62 =	vshll.u32 v3, $0x1  }
0x73: {  	v3 =	vand.u32 $0x7, v3;
	v4 =	vand.u32 $0xFFFFFFF0, v62  }
0x74: {  	v3 =	vor.u32 v3, v4  }
0x75: {  	v4 =	vperm.xlane v3, v0;
	_ =	sdelay $0x1  }
0x76: {  	v3 =	vperm.xlane v3, v2;
	v4 =	vadd.s32 v1, v4;
	_ =	sdelay $0x1  }
0x77: {  	v3 =	vadd.s32 v1, v3;
	_ =	sdelay $0x1  }
0x78: {  	s29 =	sor.u32 $0x6100, s21  }
0x79: {  	[tilespmem:s29], [sflag:$0x5] =	stream.indirect_vreg.gather [hbm4b:s1+s5], $0x80, v4, vm0, $0x2000b8;
	[tilespmem:$0x10100] =	vst v63  }
0x7a: {  	s30 =	sor.u32 $0x6900, s21  }
0x7b: {  	[tilespmem:s30], [sflag:$0x5] =	stream.indirect_vreg.gather [hbm4b:s1+s5], $0x80, v3, vm0, $0x2000b8;
	[tilespmem:$0x10100] =	vst v63  }
0x7c: {  	v3 =	vld [tilespmem:s22+$0x70];
	_ =	sdelay $0x4  }
0x7d: {  	v63 =	vshll.u32 v3, $0x1  }
0x7e: {  	v3 =	vand.u32 $0x7, v3;
	v4 =	vand.u32 $0xFFFFFFF0, v63  }
0x7f: {  	v3 =	vor.u32 v3, v4  }
0x80: {  	v4 =	vperm.xlane v3, v0;
	_ =	sdelay $0x1  }
0x81: {  	v3 =	vperm.xlane v3, v2;
	v4 =	vadd.s32 v1, v4;
	_ =	sdelay $0x1  }
0x82: {  	v3 =	vadd.s32 v1, v3;
	_ =	sdelay $0x1  }
0x83: {  	p2 =	por !p2, !p2;
	p3 =	seq.s32 s18, s13;
	s31 =	sor.u32 $0x7100, s21  }
0x84: {  	[tilespmem:s31], [sflag:$0x5] =	stream.indirect_vreg.gather [hbm4b:s1+s5], $0x80, v4, vm0, $0x2000b8;
	[tilespmem:$0x10100] =	vst v63  }
0x85: {  	p2 =	por !p2, !p3;
	s21 =	sor.u32 $0x7900, s21  }
0x86: {  	[tilespmem:s21], [sflag:$0x5] =	stream.indirect_vreg.gather [hbm4b:s1+s5], $0x80, v3, vm0, $0x2000b8;
	[tilespmem:$0x10100] =	vst v63  }
0x87: {  	s18 =	sadd.s32 s6, s18;
	p2 =	por !p2, !p2;
	_ =	swait.ge [sflag:s9], $0x8000  }
0x88: {  	s18 =	sshll.u32 @!p2 s18, $0xC;
	p0 =	por p2, p0;
	[sflag:s9] =	ssyncset.done $0x0  }
.Ltmp2:
0x89: {  	s18 =	sand.u32 @!p2 $0x1FFFF000, s18;
	[sflag:s9] =	ssyncadd.s32 $0xFFFF8000;
	(pc) =	sbr.rel @!p0 .LBB2_4-.Ltmp2, $4  }
0x8a: {  	s18 =	sadd.s32 @!p2 s4, s18;
	_ =	strace $0x9000004B  }
0x8b: {  	s19 =	sadd.s32 @!p2 $0x3, s19;
	s21 =	simm.s32 @!p2 $0x0;
	_ =	strace @!p2 $0x8000004C  }
0x8c: {  	[hbm4b:s18+s21] =	stream.linear.scatter @!p2 [tilespmem:s20], [sflag:s19], $0x8000, $0x200038;
	[tilespmem:$0x10100] =	vst v63  }
0x8d: {  	_ =	strace @!p2 $0x9000004C  }
.Ltmp3:
0x8e: {  	s18 =	simm.s32 $0x1;
	(pc) =	sbr.rel .LBB2_2-.Ltmp3, $4  }
0x8f: {  	s19 =	simm.s32 @!p2 $0x1;
	s12 =	sadd.s32 s16, s12;
	s18 =	simm.s32 @!p1 $0x0  }
0x90: {  	s16 =	simm.s32 $0x1;
	s15 =	sadd.s32 s18, s15;
	s18 =	sadd.s32 @!p2 $0x1, s17  }
0x91: {  	p0 =	por $0x0, $0x0;
	s19 =	simm.s32 @p2 $0x0;
	s18 =	smov.u32 @p2 s17  }
0x92: {  	s14 =	sadd.s32 s14, s19;
	p2 =	por $0x1, $0x1;
	s17 =	smov.u32 s18  }
.LBB2_5:
0x93: {  	_ =	sfence.sel $0x180000  }
0x94: {  	[bflag:$0x0] =	sbarrier.arrive $0xFFFF  }
0x95: {  	p0 =	sne.s32 s3, $0x0;
	_ =	strace $0x90000047  }
0x96: {  	s0 =	sadd.s32 @!p0 $0x100000, s0;
	[bflag:$0x2] =	sbarrier.arrive $0xFFFF  }
0x97: {  	[sflag:s0] =	ssyncadd.tile.s32 @!p0 $0x1;
	_ =	shalt  }
.Lfunc_end2:
_tile_overlayer_lowered:
.L_overlay_start_2:
0x98: {  	(tag) =	ssettag $0x2  }
0x99: {  	s0 =	rddreg [dreg:$0x0];
	s2 =	stileid.u32  }
0x9a: {  	s1 =	rddreg [dreg:$0x1];
	p0 =	sne.s32 s2, $0x0  }
0x9b: {  	s3 =	rddreg [dreg:$0x2];
	[bflag:$0x3] =	sbarrier.arrive $0xFFFF;
	s2 =	simm.s32 @!p0 $0x1C01  }
0x9c: {  	[timem:s3], [sflag:s2] =	dma.local @!p0 [hbm:s0], s1  }
0x9d: {  	s0 =	simm.s32 @!p0 $0x1  }
0x9e: {  	_ =	swait.ge @!p0 [sflag:s0], s1  }
0x9f: {  	s1 =	ssub.s32 @!p0 $0x0, s1;
	[sflag:s0] =	ssyncset.done @!p0 $0x0  }
0xa0: {  	[sflag:s0] =	ssyncadd.s32 @!p0 s1  }
0xa1: {  	[bflag:$0x3] =	sbarrier.arrive $0xFFFF  }
0xa2: {  	_ =	shalt  }

</sc_bundles>
